<compile_context>
chip_gen: v7x
topology: tpu7x:2x2x1
jax: 0.10.2.dev20260603
libtpu: 0.0.44.dev20260713+nightly
codegen_flags: <defaults>
</compile_context>

<pallas_src>
import math

import jax
import jax.numpy as jnp
from jax import lax
from jax.experimental import pallas as pl
from jax.experimental.pallas import tpu as pltpu
from jax.experimental.pallas import tpu_sc as plsc

EMB = 128
SCALE = math.sqrt(float(EMB))

_info = plsc.get_sparse_core_info()
NC = _info.num_cores
NS = _info.num_subcores
LANES = _info.num_lanes
NW = NC * NS

K = 128
NBUF = 2


def _emb_body(idx_hbm, table_hbm, out_hbm,
              idx_v, g0, g1, s0, s1,
              gsem0, gsem1, osem0, osem1, isem):
    nchunk = idx_v.shape[0]
    wid = lax.axis_index("s") * NC + lax.axis_index("c")
    base = wid * (nchunk * K)

    gbufs = (g0, g1)
    sbufs = (s0, s1)
    gsems = (gsem0, gsem1)
    osems = (osem0, osem1)

    pltpu.async_copy(idx_hbm.at[wid], idx_v, isem).wait()

    for b in range(NBUF):
        pltpu.async_copy(table_hbm.at[idx_v.at[b]], gbufs[b], gsems[b])

    def scale_rows(src, dst):
        def row(r, carry):
            for j in range(EMB // LANES):
                sl = pl.ds(j * LANES, LANES)
                dst[r, sl] = src[r, sl] * SCALE
            return carry
        lax.fori_loop(0, K, row, 0)

    def group(g, carry):
        for b in range(NBUF):
            c = g * NBUF + b
            pltpu.make_async_copy(table_hbm.at[idx_v.at[b]], gbufs[b],
                                  gsems[b]).wait()
            @pl.when(g > 0)
            def _():
                pltpu.make_async_copy(sbufs[b], out_hbm.at[pl.ds(base, K)],
                                      osems[b]).wait()
            scale_rows(gbufs[b], sbufs[b])
            pltpu.async_copy(sbufs[b], out_hbm.at[pl.ds(base + c * K, K)],
                             osems[b])
            @pl.when(c + NBUF < nchunk)
            def _():
                pltpu.async_copy(table_hbm.at[idx_v.at[c + NBUF]],
                                 gbufs[b], gsems[b])
        return carry

    lax.fori_loop(0, nchunk // NBUF, group, 0)

    for b in range(NBUF):
        pltpu.make_async_copy(sbufs[b], out_hbm.at[pl.ds(base, K)],
                              osems[b]).wait()


def kernel(tokens, table):
    bsz, seq = tokens.shape
    total = bsz * seq
    assert total % (NW * K) == 0
    nchunk = total // (NW * K)

    idx = tokens.astype(jnp.int32).T.reshape(NW, nchunk, K)

    emb = pl.kernel(
        _emb_body,
        out_type=jax.ShapeDtypeStruct((total, EMB), jnp.float32),
        mesh=plsc.VectorSubcoreMesh(core_axis_name="c", subcore_axis_name="s"),
        scratch_types=[
            pltpu.VMEM((nchunk, K), jnp.int32),
            pltpu.VMEM((K, EMB), jnp.float32),
            pltpu.VMEM((K, EMB), jnp.float32),
            pltpu.VMEM((K, EMB), jnp.float32),
            pltpu.VMEM((K, EMB), jnp.float32),
            pltpu.SemaphoreType.DMA,
            pltpu.SemaphoreType.DMA,
            pltpu.SemaphoreType.DMA,
            pltpu.SemaphoreType.DMA,
            pltpu.SemaphoreType.DMA,
        ],
    )(idx, table)

    return emb.reshape(seq, bsz, EMB).transpose(1, 0, 2)

# --- scband reference (transcript-rebuilt; emitter-appended) ---
"""Pipeline reference for scband-token-embedding-26534307955203 (READ-ONLY COPY).

The authoritative reference and input builder live on the scoring server;
editing this copy changes nothing except your own understanding.
"""

import jax, jax.numpy as jnp
import numpy as np
import math

VOCAB_SIZE = 100000
EMB_SIZE = 128

def setup_inputs(seed: int = 0) -> dict:
    key = jax.random.key(seed)
    k1, k2 = jax.random.split(key)
    tokens = jax.random.randint(k1, (4096, 50), 0, VOCAB_SIZE, dtype=jnp.int64 if jax.config.jax_enable_x64 else jnp.int32)
    table = jax.random.normal(k2, (VOCAB_SIZE, EMB_SIZE), dtype=jnp.float32)
    return {"tokens": tokens, "table": table}

def reference(tokens, table):
    # TokenEmbedding.forward: embedding(tokens.long()) * sqrt(emb_size)
    emb = jnp.take(table, tokens.astype(jnp.int32), axis=0)
    return emb * math.sqrt(EMB_SIZE)

if __name__ == "__main__":
    import jax
    _d = setup_inputs()
    print(jax.jit(kernel)(*tuple(_d.values())))

</pallas_src>

<mosaic_0001>
#map = affine_map<(d0, d1) -> (0, 0, 0)>
#map1 = affine_map<(d0, d1) -> (0, 0)>
module attributes {stable_mosaic.version = 14 : i64} {
  func.func @_emb_body(%arg0: i32, %arg1: i32, %arg2: memref<32x50x128xi32, #tpu.memory_space<hbm>>, %arg3: memref<100000x128xf32, #tpu.memory_space<hbm>>, %arg4: memref<204800x128xf32, #tpu.memory_space<hbm>>, %arg5: memref<50x128xi32, #tpu.memory_space<vmem>>, %arg6: memref<128x128xf32, #tpu.memory_space<vmem>>, %arg7: memref<128x128xf32, #tpu.memory_space<vmem>>, %arg8: memref<128x128xf32, #tpu.memory_space<vmem>>, %arg9: memref<128x128xf32, #tpu.memory_space<vmem>>, %arg10: memref<!tpu.dma_semaphore, #tpu.memory_space<semaphore_mem>>, %arg11: memref<!tpu.dma_semaphore, #tpu.memory_space<semaphore_mem>>, %arg12: memref<!tpu.dma_semaphore, #tpu.memory_space<semaphore_mem>>, %arg13: memref<!tpu.dma_semaphore, #tpu.memory_space<semaphore_mem>>, %arg14: memref<!tpu.dma_semaphore, #tpu.memory_space<semaphore_mem>>) attributes {dimension_semantics = [#tpu.dimension_semantics<core_parallel>, #tpu.dimension_semantics<subcore_parallel>], iteration_bounds = array<i64: 2, 16>, scalar_prefetch = 0 : i64, scratch_operands = 10 : i64, tpu.core_type = #tpu.core_type<sc_vector_subcore>, window_params = [{transform_indices = #map}, {transform_indices = #map1}, {transform_indices = #map1}]} {
    %mul3A = arith.constant 2 : i32
    %mul3A_0 = arith.muli %arg1, %mul3A : i32
    %add3A = arith.addi %mul3A_0, %arg0 : i32
    %mul3A_1 = arith.constant 6400 : i32
    %mul3A_2 = arith.muli %add3A, %mul3A_1 : i32
    %dma_start3A = arith.constant 0 : i32
    %dma_start3A_3 = arith.constant 0 : i32
    %dma_start3A_4 = tpu.memref_slice %arg2[%add3A, %dma_start3A, %dma_start3A_3] : memref<32x50x128xi32, #tpu.memory_space<hbm>> -> memref<1x50x128xi32, #tpu.memory_space<hbm>>
    %dma_start3A_5 = tpu.memref_squeeze %dma_start3A_4 : memref<1x50x128xi32, #tpu.memory_space<hbm>> -> memref<50x128xi32, #tpu.memory_space<hbm>>
    %dma_start3A_6 = arith.constant 0 : i32
    %dma_start3A_7 = arith.constant 0 : i32
    %dma_start3A_8 = tpu.memref_slice %arg2[%add3A, %dma_start3A_6, %dma_start3A_7] : memref<32x50x128xi32, #tpu.memory_space<hbm>> -> memref<1x50x128xi32, #tpu.memory_space<hbm>>
    %dma_start3A_9 = tpu.memref_squeeze %dma_start3A_8 : memref<1x50x128xi32, #tpu.memory_space<hbm>> -> memref<50x128xi32, #tpu.memory_space<hbm>>
    tpu.enqueue_dma source(%dma_start3A_9 : memref<50x128xi32, #tpu.memory_space<hbm>>) target(%arg5 : memref<50x128xi32, #tpu.memory_space<vmem>>) target_semaphore(%arg14 : memref<!tpu.dma_semaphore, #tpu.memory_space<semaphore_mem>>)
    %dma_wait3A = arith.constant 0 : i32
    %dma_wait3A_10 = arith.constant 0 : i32
    %dma_wait3A_11 = tpu.memref_slice %arg2[%add3A, %dma_wait3A, %dma_wait3A_10] : memref<32x50x128xi32, #tpu.memory_space<hbm>> -> memref<1x50x128xi32, #tpu.memory_space<hbm>>
    %dma_wait3A_12 = tpu.memref_squeeze %dma_wait3A_11 : memref<1x50x128xi32, #tpu.memory_space<hbm>> -> memref<50x128xi32, #tpu.memory_space<hbm>>
    %dma_wait3A_13 = arith.constant 0 : i32
    %dma_wait3A_14 = arith.constant 0 : i32
    %dma_wait3A_15 = tpu.memref_slice %arg2[%add3A, %dma_wait3A_13, %dma_wait3A_14] : memref<32x50x128xi32, #tpu.memory_space<hbm>> -> memref<1x50x128xi32, #tpu.memory_space<hbm>>
    %dma_wait3A_16 = tpu.memref_squeeze %dma_wait3A_15 : memref<1x50x128xi32, #tpu.memory_space<hbm>> -> memref<50x128xi32, #tpu.memory_space<hbm>>
    tpu.wait_dma2 semaphore(%arg14 : memref<!tpu.dma_semaphore, #tpu.memory_space<semaphore_mem>>) src(%dma_wait3A_16 : memref<50x128xi32, #tpu.memory_space<hbm>>) dst(%arg5 : memref<50x128xi32, #tpu.memory_space<vmem>>)
    %dma_start3A_17 = arith.constant 0 : i32
    %dma_start3A_18 = arith.constant 0 : i32
    %dma_start3A_19 = tpu.memref_slice %arg5[%dma_start3A_17, %dma_start3A_18] : memref<50x128xi32, #tpu.memory_space<vmem>> -> memref<1x128xi32, #tpu.memory_space<vmem>>
    %dma_start3A_20 = tpu.memref_squeeze %dma_start3A_19 : memref<1x128xi32, #tpu.memory_space<vmem>> -> memref<128xi32, #tpu.memory_space<vmem>>
    %dma_start3A_21 = arith.constant 0 : i32
    %dma_start3A_22 = arith.constant 0 : i32
    %dma_start3A_23 = tpu.memref_slice %arg3[%dma_start3A_21, %dma_start3A_22] : memref<100000x128xf32, #tpu.memory_space<hbm>> -> memref<100000x128xf32, #tpu.memory_space<hbm>>
    tpu.enqueue_indirect_dma source(%dma_start3A_23 : memref<100000x128xf32, #tpu.memory_space<hbm>>) target(%arg6 : memref<128x128xf32, #tpu.memory_space<vmem>>) offsets(%dma_start3A_20 : memref<128xi32, #tpu.memory_space<vmem>>) semaphore(%arg10 : memref<!tpu.dma_semaphore, #tpu.memory_space<semaphore_mem>>)
    %dma_start3A_24 = arith.constant 1 : i32
    %dma_start3A_25 = arith.constant 0 : i32
    %dma_start3A_26 = tpu.memref_slice %arg5[%dma_start3A_24, %dma_start3A_25] : memref<50x128xi32, #tpu.memory_space<vmem>> -> memref<1x128xi32, #tpu.memory_space<vmem>>
    %dma_start3A_27 = tpu.memref_squeeze %dma_start3A_26 : memref<1x128xi32, #tpu.memory_space<vmem>> -> memref<128xi32, #tpu.memory_space<vmem>>
    %dma_start3A_28 = arith.constant 0 : i32
    %dma_start3A_29 = arith.constant 0 : i32
    %dma_start3A_30 = tpu.memref_slice %arg3[%dma_start3A_28, %dma_start3A_29] : memref<100000x128xf32, #tpu.memory_space<hbm>> -> memref<100000x128xf32, #tpu.memory_space<hbm>>
    tpu.enqueue_indirect_dma source(%dma_start3A_30 : memref<100000x128xf32, #tpu.memory_space<hbm>>) target(%arg7 : memref<128x128xf32, #tpu.memory_space<vmem>>) offsets(%dma_start3A_27 : memref<128xi32, #tpu.memory_space<vmem>>) semaphore(%arg11 : memref<!tpu.dma_semaphore, #tpu.memory_space<semaphore_mem>>)
    %scan3A = arith.constant 0 : i32
    %scan3A_31 = arith.constant 0 : i32
    %scan3A_32 = arith.constant 25 : i32
    %scan3A_33 = arith.addi %scan3A_31, %scan3A_32 : i32
    %scan3A_34 = arith.constant 1 : i32
    scf.for %scan3A_44 = %scan3A_31 to %scan3A_33 step %scan3A_34  : i32 {
      %mul3A_45 = arith.constant 2 : i32
      %mul3A_46 = arith.muli %scan3A_44, %mul3A_45 : i32
      %add3A_47 = arith.constant 0 : i32
      %add3A_48 = arith.addi %mul3A_46, %add3A_47 : i32
      %dma_wait3A_49 = arith.constant 0 : i32
      %dma_wait3A_50 = arith.constant 0 : i32
      %dma_wait3A_51 = tpu.memref_slice %arg5[%dma_wait3A_49, %dma_wait3A_50] : memref<50x128xi32, #tpu.memory_space<vmem>> -> memref<1x128xi32, #tpu.memory_space<vmem>>
      %dma_wait3A_52 = tpu.memref_squeeze %dma_wait3A_51 : memref<1x128xi32, #tpu.memory_space<vmem>> -> memref<128xi32, #tpu.memory_space<vmem>>
      %dma_wait3A_53 = arith.constant 0 : i32
      %dma_wait3A_54 = arith.constant 0 : i32
      %dma_wait3A_55 = tpu.memref_slice %arg3[%dma_wait3A_53, %dma_wait3A_54] : memref<100000x128xf32, #tpu.memory_space<hbm>> -> memref<100000x128xf32, #tpu.memory_space<hbm>>
      tpu.wait_indirect_dma semaphore(%arg10 : memref<!tpu.dma_semaphore, #tpu.memory_space<semaphore_mem>>) src(%dma_wait3A_55 : memref<100000x128xf32, #tpu.memory_space<hbm>>) dst(%arg6 : memref<128x128xf32, #tpu.memory_space<vmem>>)
      %gt3A = arith.constant 0 : i32
      %gt3A_56 = arith.cmpi sgt, %scan3A_44, %gt3A : i32
      %convert_element_type3A = arith.extui %gt3A_56 : i1 to i32
      %cond3A = arith.constant 0 : i32
      %cond3A_57 = arith.cmpi ne, %convert_element_type3A, %cond3A : i32
      scf.if %cond3A_57 {
        %dma_wait3A_113 = arith.constant 0 : i32
        %dma_wait3A_114 = tpu.memref_slice %arg4[%mul3A_2, %dma_wait3A_113] : memref<204800x128xf32, #tpu.memory_space<hbm>> -> memref<128x128xf32, #tpu.memory_space<hbm>>
        %dma_wait3A_115 = arith.constant 0 : i32
        %dma_wait3A_116 = tpu.memref_slice %arg4[%mul3A_2, %dma_wait3A_115] : memref<204800x128xf32, #tpu.memory_space<hbm>> -> memref<128x128xf32, #tpu.memory_space<hbm>>
        tpu.wait_dma2 semaphore(%arg12 : memref<!tpu.dma_semaphore, #tpu.memory_space<semaphore_mem>>) src(%arg8 : memref<128x128xf32, #tpu.memory_space<vmem>>) dst(%dma_wait3A_116 : memref<128x128xf32, #tpu.memory_space<hbm>>)
      } else {
      }
      %scan3A_58 = arith.constant 0 : i32
      %scan3A_59 = arith.constant 0 : i32
      %scan3A_60 = arith.constant 128 : i32
      %scan3A_61 = arith.addi %scan3A_59, %scan3A_60 : i32
      %scan3A_62 = arith.constant 1 : i32
      scf.for %scan3A_113 = %scan3A_59 to %scan3A_61 step %scan3A_62  : i32 {
        %get3A = arith.index_cast %scan3A_113 : i32 to index
        %get3A_114 = arith.constant 0 : index
        %get3A_115 = tpu.vector_load %arg6[%get3A, %get3A_114] {strides = array<i32>} : memref<128x128xf32, #tpu.memory_space<vmem>>, vector<1x16xf32>,
        %get3A_116 = vector.shape_cast %get3A_115 : vector<1x16xf32> to vector<16xf32>
        %mul3A_117 = arith.constant 11.3137083 : f32
        %mul3A_118 = vector.broadcast %mul3A_117 : f32 to vector<16xf32>
        %mul3A_119 = arith.mulf %get3A_116, %mul3A_118 : vector<16xf32>
        %swap3A = arith.index_cast %scan3A_113 : i32 to index
        %swap3A_120 = arith.constant 0 : index
        %swap3A_121 = tpu.vector_load %arg8[%swap3A, %swap3A_120] {strides = array<i32>} : memref<128x128xf32, #tpu.memory_space<vmem>>, vector<1x16xf32>,
        %swap3A_122 = vector.shape_cast %swap3A_121 : vector<1x16xf32> to vector<16xf32>
        %swap3A_123 = vector.shape_cast %mul3A_119 : vector<16xf32> to vector<1x16xf32>
        tpu.vector_store %arg8[%swap3A, %swap3A_120], %swap3A_123 {strides = array<i32>} : memref<128x128xf32, #tpu.memory_space<vmem>>, vector<1x16xf32>,
        %get3A_124 = arith.index_cast %scan3A_113 : i32 to index
        %get3A_125 = arith.constant 16 : index
        %get3A_126 = tpu.vector_load %arg6[%get3A_124, %get3A_125] {strides = array<i32>} : memref<128x128xf32, #tpu.memory_space<vmem>>, vector<1x16xf32>,
        %get3A_127 = vector.shape_cast %get3A_126 : vector<1x16xf32> to vector<16xf32>
        %mul3A_128 = arith.constant 11.3137083 : f32
        %mul3A_129 = vector.broadcast %mul3A_128 : f32 to vector<16xf32>
        %mul3A_130 = arith.mulf %get3A_127, %mul3A_129 : vector<16xf32>
        %swap3A_131 = arith.index_cast %scan3A_113 : i32 to index
        %swap3A_132 = arith.constant 16 : index
        %swap3A_133 = tpu.vector_load %arg8[%swap3A_131, %swap3A_132] {strides = array<i32>} : memref<128x128xf32, #tpu.memory_space<vmem>>, vector<1x16xf32>,
        %swap3A_134 = vector.shape_cast %swap3A_133 : vector<1x16xf32> to vector<16xf32>
        %swap3A_135 = vector.shape_cast %mul3A_130 : vector<16xf32> to vector<1x16xf32>
        tpu.vector_store %arg8[%swap3A_131, %swap3A_132], %swap3A_135 {strides = array<i32>} : memref<128x128xf32, #tpu.memory_space<vmem>>, vector<1x16xf32>,
        %get3A_136 = arith.index_cast %scan3A_113 : i32 to index
        %get3A_137 = arith.constant 32 : index
        %get3A_138 = tpu.vector_load %arg6[%get3A_136, %get3A_137] {strides = array<i32>} : memref<128x128xf32, #tpu.memory_space<vmem>>, vector<1x16xf32>,
        %get3A_139 = vector.shape_cast %get3A_138 : vector<1x16xf32> to vector<16xf32>
        %mul3A_140 = arith.constant 11.3137083 : f32
        %mul3A_141 = vector.broadcast %mul3A_140 : f32 to vector<16xf32>
        %mul3A_142 = arith.mulf %get3A_139, %mul3A_141 : vector<16xf32>
        %swap3A_143 = arith.index_cast %scan3A_113 : i32 to index
        %swap3A_144 = arith.constant 32 : index
        %swap3A_145 = tpu.vector_load %arg8[%swap3A_143, %swap3A_144] {strides = array<i32>} : memref<128x128xf32, #tpu.memory_space<vmem>>, vector<1x16xf32>,
        %swap3A_146 = vector.shape_cast %swap3A_145 : vector<1x16xf32> to vector<16xf32>
        %swap3A_147 = vector.shape_cast %mul3A_142 : vector<16xf32> to vector<1x16xf32>
        tpu.vector_store %arg8[%swap3A_143, %swap3A_144], %swap3A_147 {strides = array<i32>} : memref<128x128xf32, #tpu.memory_space<vmem>>, vector<1x16xf32>,
        %get3A_148 = arith.index_cast %scan3A_113 : i32 to index
        %get3A_149 = arith.constant 48 : index
        %get3A_150 = tpu.vector_load %arg6[%get3A_148, %get3A_149] {strides = array<i32>} : memref<128x128xf32, #tpu.memory_space<vmem>>, vector<1x16xf32>,
        %get3A_151 = vector.shape_cast %get3A_150 : vector<1x16xf32> to vector<16xf32>
        %mul3A_152 = arith.constant 11.3137083 : f32
        %mul3A_153 = vector.broadcast %mul3A_152 : f32 to vector<16xf32>
        %mul3A_154 = arith.mulf %get3A_151, %mul3A_153 : vector<16xf32>
        %swap3A_155 = arith.index_cast %scan3A_113 : i32 to index
        %swap3A_156 = arith.constant 48 : index
        %swap3A_157 = tpu.vector_load %arg8[%swap3A_155, %swap3A_156] {strides = array<i32>} : memref<128x128xf32, #tpu.memory_space<vmem>>, vector<1x16xf32>,
        %swap3A_158 = vector.shape_cast %swap3A_157 : vector<1x16xf32> to vector<16xf32>
        %swap3A_159 = vector.shape_cast %mul3A_154 : vector<16xf32> to vector<1x16xf32>
        tpu.vector_store %arg8[%swap3A_155, %swap3A_156], %swap3A_159 {strides = array<i32>} : memref<128x128xf32, #tpu.memory_space<vmem>>, vector<1x16xf32>,
        %get3A_160 = arith.index_cast %scan3A_113 : i32 to index
        %get3A_161 = arith.constant 64 : index
        %get3A_162 = tpu.vector_load %arg6[%get3A_160, %get3A_161] {strides = array<i32>} : memref<128x128xf32, #tpu.memory_space<vmem>>, vector<1x16xf32>,
        %get3A_163 = vector.shape_cast %get3A_162 : vector<1x16xf32> to vector<16xf32>
        %mul3A_164 = arith.constant 11.3137083 : f32
        %mul3A_165 = vector.broadcast %mul3A_164 : f32 to vector<16xf32>
        %mul3A_166 = arith.mulf %get3A_163, %mul3A_165 : vector<16xf32>
        %swap3A_167 = arith.index_cast %scan3A_113 : i32 to index
        %swap3A_168 = arith.constant 64 : index
        %swap3A_169 = tpu.vector_load %arg8[%swap3A_167, %swap3A_168] {strides = array<i32>} : memref<128x128xf32, #tpu.memory_space<vmem>>, vector<1x16xf32>,
        %swap3A_170 = vector.shape_cast %swap3A_169 : vector<1x16xf32> to vector<16xf32>
        %swap3A_171 = vector.shape_cast %mul3A_166 : vector<16xf32> to vector<1x16xf32>
        tpu.vector_store %arg8[%swap3A_167, %swap3A_168], %swap3A_171 {strides = array<i32>} : memref<128x128xf32, #tpu.memory_space<vmem>>, vector<1x16xf32>,
        %get3A_172 = arith.index_cast %scan3A_113 : i32 to index
        %get3A_173 = arith.constant 80 : index
        %get3A_174 = tpu.vector_load %arg6[%get3A_172, %get3A_173] {strides = array<i32>} : memref<128x128xf32, #tpu.memory_space<vmem>>, vector<1x16xf32>,
        %get3A_175 = vector.shape_cast %get3A_174 : vector<1x16xf32> to vector<16xf32>
        %mul3A_176 = arith.constant 11.3137083 : f32
        %mul3A_177 = vector.broadcast %mul3A_176 : f32 to vector<16xf32>
        %mul3A_178 = arith.mulf %get3A_175, %mul3A_177 : vector<16xf32>
        %swap3A_179 = arith.index_cast %scan3A_113 : i32 to index
        %swap3A_180 = arith.constant 80 : index
        %swap3A_181 = tpu.vector_load %arg8[%swap3A_179, %swap3A_180] {strides = array<i32>} : memref<128x128xf32, #tpu.memory_space<vmem>>, vector<1x16xf32>,
        %swap3A_182 = vector.shape_cast %swap3A_181 : vector<1x16xf32> to vector<16xf32>
        %swap3A_183 = vector.shape_cast %mul3A_178 : vector<16xf32> to vector<1x16xf32>
        tpu.vector_store %arg8[%swap3A_179, %swap3A_180], %swap3A_183 {strides = array<i32>} : memref<128x128xf32, #tpu.memory_space<vmem>>, vector<1x16xf32>,
        %get3A_184 = arith.index_cast %scan3A_113 : i32 to index
        %get3A_185 = arith.constant 96 : index
        %get3A_186 = tpu.vector_load %arg6[%get3A_184, %get3A_185] {strides = array<i32>} : memref<128x128xf32, #tpu.memory_space<vmem>>, vector<1x16xf32>,
        %get3A_187 = vector.shape_cast %get3A_186 : vector<1x16xf32> to vector<16xf32>
        %mul3A_188 = arith.constant 11.3137083 : f32
        %mul3A_189 = vector.broadcast %mul3A_188 : f32 to vector<16xf32>
        %mul3A_190 = arith.mulf %get3A_187, %mul3A_189 : vector<16xf32>
        %swap3A_191 = arith.index_cast %scan3A_113 : i32 to index
        %swap3A_192 = arith.constant 96 : index
        %swap3A_193 = tpu.vector_load %arg8[%swap3A_191, %swap3A_192] {strides = array<i32>} : memref<128x128xf32, #tpu.memory_space<vmem>>, vector<1x16xf32>,
        %swap3A_194 = vector.shape_cast %swap3A_193 : vector<1x16xf32> to vector<16xf32>
        %swap3A_195 = vector.shape_cast %mul3A_190 : vector<16xf32> to vector<1x16xf32>
        tpu.vector_store %arg8[%swap3A_191, %swap3A_192], %swap3A_195 {strides = array<i32>} : memref<128x128xf32, #tpu.memory_space<vmem>>, vector<1x16xf32>,
        %get3A_196 = arith.index_cast %scan3A_113 : i32 to index
        %get3A_197 = arith.constant 112 : index
        %get3A_198 = tpu.vector_load %arg6[%get3A_196, %get3A_197] {strides = array<i32>} : memref<128x128xf32, #tpu.memory_space<vmem>>, vector<1x16xf32>,
        %get3A_199 = vector.shape_cast %get3A_198 : vector<1x16xf32> to vector<16xf32>
        %mul3A_200 = arith.constant 11.3137083 : f32
        %mul3A_201 = vector.broadcast %mul3A_200 : f32 to vector<16xf32>
        %mul3A_202 = arith.mulf %get3A_199, %mul3A_201 : vector<16xf32>
        %swap3A_203 = arith.index_cast %scan3A_113 : i32 to index
        %swap3A_204 = arith.constant 112 : index
        %swap3A_205 = tpu.vector_load %arg8[%swap3A_203, %swap3A_204] {strides = array<i32>} : memref<128x128xf32, #tpu.memory_space<vmem>>, vector<1x16xf32>,
        %swap3A_206 = vector.shape_cast %swap3A_205 : vector<1x16xf32> to vector<16xf32>
        %swap3A_207 = vector.shape_cast %mul3A_202 : vector<16xf32> to vector<1x16xf32>
        tpu.vector_store %arg8[%swap3A_203, %swap3A_204], %swap3A_207 {strides = array<i32>} : memref<128x128xf32, #tpu.memory_space<vmem>>, vector<1x16xf32>,
      }
      %scan3A_63 = arith.constant 128 : i32
      %mul3A_64 = arith.constant 128 : i32
      %mul3A_65 = arith.muli %add3A_48, %mul3A_64 : i32
      %add3A_66 = arith.addi %mul3A_2, %mul3A_65 : i32
      %dma_start3A_67 = arith.constant 0 : i32
      %dma_start3A_68 = tpu.memref_slice %arg4[%add3A_66, %dma_start3A_67] : memref<204800x128xf32, #tpu.memory_space<hbm>> -> memref<128x128xf32, #tpu.memory_space<hbm>>
      %dma_start3A_69 = arith.constant 0 : i32
      %dma_start3A_70 = tpu.memref_slice %arg4[%add3A_66, %dma_start3A_69] : memref<204800x128xf32, #tpu.memory_space<hbm>> -> memref<128x128xf32, #tpu.memory_space<hbm>>
      tpu.enqueue_dma source(%arg8 : memref<128x128xf32, #tpu.memory_space<vmem>>) target(%dma_start3A_70 : memref<128x128xf32, #tpu.memory_space<hbm>>) target_semaphore(%arg12 : memref<!tpu.dma_semaphore, #tpu.memory_space<semaphore_mem>>)
      %add3A_71 = arith.constant 2 : i32
      %add3A_72 = arith.addi %add3A_48, %add3A_71 : i32
      %lt3A = arith.constant 50 : i32
      %lt3A_73 = arith.cmpi slt, %add3A_72, %lt3A : i32
      %convert_element_type3A_74 = arith.extui %lt3A_73 : i1 to i32
      %cond3A_75 = arith.constant 0 : i32
      %cond3A_76 = arith.cmpi ne, %convert_element_type3A_74, %cond3A_75 : i32
      scf.if %cond3A_76 {
        %add3A_113 = arith.constant 2 : i32
        %add3A_114 = arith.addi %add3A_48, %add3A_113 : i32
        %dma_start3A_115 = arith.constant 0 : i32
        %dma_start3A_116 = tpu.memref_slice %arg5[%add3A_114, %dma_start3A_115] : memref<50x128xi32, #tpu.memory_space<vmem>> -> memref<1x128xi32, #tpu.memory_space<vmem>>
        %dma_start3A_117 = tpu.memref_squeeze %dma_start3A_116 : memref<1x128xi32, #tpu.memory_space<vmem>> -> memref<128xi32, #tpu.memory_space<vmem>>
        %dma_start3A_118 = arith.constant 0 : i32
        %dma_start3A_119 = arith.constant 0 : i32
        %dma_start3A_120 = tpu.memref_slice %arg3[%dma_start3A_118, %dma_start3A_119] : memref<100000x128xf32, #tpu.memory_space<hbm>> -> memref<100000x128xf32, #tpu.memory_space<hbm>>
        tpu.enqueue_indirect_dma source(%dma_start3A_120 : memref<100000x128xf32, #tpu.memory_space<hbm>>) target(%arg6 : memref<128x128xf32, #tpu.memory_space<vmem>>) offsets(%dma_start3A_117 : memref<128xi32, #tpu.memory_space<vmem>>) semaphore(%arg10 : memref<!tpu.dma_semaphore, #tpu.memory_space<semaphore_mem>>)
      } else {
      }
      %mul3A_77 = arith.constant 2 : i32
      %mul3A_78 = arith.muli %scan3A_44, %mul3A_77 : i32
      %add3A_79 = arith.constant 1 : i32
      %add3A_80 = arith.addi %mul3A_78, %add3A_79 : i32
      %dma_wait3A_81 = arith.constant 1 : i32
      %dma_wait3A_82 = arith.constant 0 : i32
      %dma_wait3A_83 = tpu.memref_slice %arg5[%dma_wait3A_81, %dma_wait3A_82] : memref<50x128xi32, #tpu.memory_space<vmem>> -> memref<1x128xi32, #tpu.memory_space<vmem>>
      %dma_wait3A_84 = tpu.memref_squeeze %dma_wait3A_83 : memref<1x128xi32, #tpu.memory_space<vmem>> -> memref<128xi32, #tpu.memory_space<vmem>>
      %dma_wait3A_85 = arith.constant 0 : i32
      %dma_wait3A_86 = arith.constant 0 : i32
      %dma_wait3A_87 = tpu.memref_slice %arg3[%dma_wait3A_85, %dma_wait3A_86] : memref<100000x128xf32, #tpu.memory_space<hbm>> -> memref<100000x128xf32, #tpu.memory_space<hbm>>
      tpu.wait_indirect_dma semaphore(%arg11 : memref<!tpu.dma_semaphore, #tpu.memory_space<semaphore_mem>>) src(%dma_wait3A_87 : memref<100000x128xf32, #tpu.memory_space<hbm>>) dst(%arg7 : memref<128x128xf32, #tpu.memory_space<vmem>>)
      %gt3A_88 = arith.constant 0 : i32
      %gt3A_89 = arith.cmpi sgt, %scan3A_44, %gt3A_88 : i32
      %convert_element_type3A_90 = arith.extui %gt3A_89 : i1 to i32
      %cond3A_91 = arith.constant 0 : i32
      %cond3A_92 = arith.cmpi ne, %convert_element_type3A_90, %cond3A_91 : i32
      scf.if %cond3A_92 {
        %dma_wait3A_113 = arith.constant 0 : i32
        %dma_wait3A_114 = tpu.memref_slice %arg4[%mul3A_2, %dma_wait3A_113] : memref<204800x128xf32, #tpu.memory_space<hbm>> -> memref<128x128xf32, #tpu.memory_space<hbm>>
        %dma_wait3A_115 = arith.constant 0 : i32
        %dma_wait3A_116 = tpu.memref_slice %arg4[%mul3A_2, %dma_wait3A_115] : memref<204800x128xf32, #tpu.memory_space<hbm>> -> memref<128x128xf32, #tpu.memory_space<hbm>>
        tpu.wait_dma2 semaphore(%arg13 : memref<!tpu.dma_semaphore, #tpu.memory_space<semaphore_mem>>) src(%arg9 : memref<128x128xf32, #tpu.memory_space<vmem>>) dst(%dma_wait3A_116 : memref<128x128xf32, #tpu.memory_space<hbm>>)
      } else {
      }
      %scan3A_93 = arith.constant 0 : i32
      %scan3A_94 = arith.constant 0 : i32
      %scan3A_95 = arith.constant 128 : i32
      %scan3A_96 = arith.addi %scan3A_94, %scan3A_95 : i32
      %scan3A_97 = arith.constant 1 : i32
      scf.for %scan3A_113 = %scan3A_94 to %scan3A_96 step %scan3A_97  : i32 {
        %get3A = arith.index_cast %scan3A_113 : i32 to index
        %get3A_114 = arith.constant 0 : index
        %get3A_115 = tpu.vector_load %arg7[%get3A, %get3A_114] {strides = array<i32>} : memref<128x128xf32, #tpu.memory_space<vmem>>, vector<1x16xf32>,
        %get3A_116 = vector.shape_cast %get3A_115 : vector<1x16xf32> to vector<16xf32>
        %mul3A_117 = arith.constant 11.3137083 : f32
        %mul3A_118 = vector.broadcast %mul3A_117 : f32 to vector<16xf32>
        %mul3A_119 = arith.mulf %get3A_116, %mul3A_118 : vector<16xf32>
        %swap3A = arith.index_cast %scan3A_113 : i32 to index
        %swap3A_120 = arith.constant 0 : index
        %swap3A_121 = tpu.vector_load %arg9[%swap3A, %swap3A_120] {strides = array<i32>} : memref<128x128xf32, #tpu.memory_space<vmem>>, vector<1x16xf32>,
        %swap3A_122 = vector.shape_cast %swap3A_121 : vector<1x16xf32> to vector<16xf32>
        %swap3A_123 = vector.shape_cast %mul3A_119 : vector<16xf32> to vector<1x16xf32>
        tpu.vector_store %arg9[%swap3A, %swap3A_120], %swap3A_123 {strides = array<i32>} : memref<128x128xf32, #tpu.memory_space<vmem>>, vector<1x16xf32>,
        %get3A_124 = arith.index_cast %scan3A_113 : i32 to index
        %get3A_125 = arith.constant 16 : index
        %get3A_126 = tpu.vector_load %arg7[%get3A_124, %get3A_125] {strides = array<i32>} : memref<128x128xf32, #tpu.memory_space<vmem>>, vector<1x16xf32>,
        %get3A_127 = vector.shape_cast %get3A_126 : vector<1x16xf32> to vector<16xf32>
        %mul3A_128 = arith.constant 11.3137083 : f32
        %mul3A_129 = vector.broadcast %mul3A_128 : f32 to vector<16xf32>
        %mul3A_130 = arith.mulf %get3A_127, %mul3A_129 : vector<16xf32>
        %swap3A_131 = arith.index_cast %scan3A_113 : i32 to index
        %swap3A_132 = arith.constant 16 : index
        %swap3A_133 = tpu.vector_load %arg9[%swap3A_131, %swap3A_132] {strides = array<i32>} : memref<128x128xf32, #tpu.memory_space<vmem>>, vector<1x16xf32>,
        %swap3A_134 = vector.shape_cast %swap3A_133 : vector<1x16xf32> to vector<16xf32>
        %swap3A_135 = vector.shape_cast %mul3A_130 : vector<16xf32> to vector<1x16xf32>
        tpu.vector_store %arg9[%swap3A_131, %swap3A_132], %swap3A_135 {strides = array<i32>} : memref<128x128xf32, #tpu.memory_space<vmem>>, vector<1x16xf32>,
        %get3A_136 = arith.index_cast %scan3A_113 : i32 to index
        %get3A_137 = arith.constant 32 : index
        %get3A_138 = tpu.vector_load %arg7[%get3A_136, %get3A_137] {strides = array<i32>} : memref<128x128xf32, #tpu.memory_space<vmem>>, vector<1x16xf32>,
        %get3A_139 = vector.shape_cast %get3A_138 : vector<1x16xf32> to vector<16xf32>
        %mul3A_140 = arith.constant 11.3137083 : f32
        %mul3A_141 = vector.broadcast %mul3A_140 : f32 to vector<16xf32>
        %mul3A_142 = arith.mulf %get3A_139, %mul3A_141 : vector<16xf32>
        %swap3A_143 = arith.index_cast %scan3A_113 : i32 to index
        %swap3A_144 = arith.constant 32 : index
        %swap3A_145 = tpu.vector_load %arg9[%swap3A_143, %swap3A_144] {strides = array<i32>} : memref<128x128xf32, #tpu.memory_space<vmem>>, vector<1x16xf32>,
        %swap3A_146 = vector.shape_cast %swap3A_145 : vector<1x16xf32> to vector<16xf32>
        %swap3A_147 = vector.shape_cast %mul3A_142 : vector<16xf32> to vector<1x16xf32>
        tpu.vector_store %arg9[%swap3A_143, %swap3A_144], %swap3A_147 {strides = array<i32>} : memref<128x128xf32, #tpu.memory_space<vmem>>, vector<1x16xf32>,
        %get3A_148 = arith.index_cast %scan3A_113 : i32 to index
        %get3A_149 = arith.constant 48 : index
        %get3A_150 = tpu.vector_load %arg7[%get3A_148, %get3A_149] {strides = array<i32>} : memref<128x128xf32, #tpu.memory_space<vmem>>, vector<1x16xf32>,
        %get3A_151 = vector.shape_cast %get3A_150 : vector<1x16xf32> to vector<16xf32>
        %mul3A_152 = arith.constant 11.3137083 : f32
        %mul3A_153 = vector.broadcast %mul3A_152 : f32 to vector<16xf32>
        %mul3A_154 = arith.mulf %get3A_151, %mul3A_153 : vector<16xf32>
        %swap3A_155 = arith.index_cast %scan3A_113 : i32 to index
        %swap3A_156 = arith.constant 48 : index
        %swap3A_157 = tpu.vector_load %arg9[%swap3A_155, %swap3A_156] {strides = array<i32>} : memref<128x128xf32, #tpu.memory_space<vmem>>, vector<1x16xf32>,
        %swap3A_158 = vector.shape_cast %swap3A_157 : vector<1x16xf32> to vector<16xf32>
        %swap3A_159 = vector.shape_cast %mul3A_154 : vector<16xf32> to vector<1x16xf32>
        tpu.vector_store %arg9[%swap3A_155, %swap3A_156], %swap3A_159 {strides = array<i32>} : memref<128x128xf32, #tpu.memory_space<vmem>>, vector<1x16xf32>,
        %get3A_160 = arith.index_cast %scan3A_113 : i32 to index
        %get3A_161 = arith.constant 64 : index
        %get3A_162 = tpu.vector_load %arg7[%get3A_160, %get3A_161] {strides = array<i32>} : memref<128x128xf32, #tpu.memory_space<vmem>>, vector<1x16xf32>,
        %get3A_163 = vector.shape_cast %get3A_162 : vector<1x16xf32> to vector<16xf32>
        %mul3A_164 = arith.constant 11.3137083 : f32
        %mul3A_165 = vector.broadcast %mul3A_164 : f32 to vector<16xf32>
        %mul3A_166 = arith.mulf %get3A_163, %mul3A_165 : vector<16xf32>
        %swap3A_167 = arith.index_cast %scan3A_113 : i32 to index
        %swap3A_168 = arith.constant 64 : index
        %swap3A_169 = tpu.vector_load %arg9[%swap3A_167, %swap3A_168] {strides = array<i32>} : memref<128x128xf32, #tpu.memory_space<vmem>>, vector<1x16xf32>,
        %swap3A_170 = vector.shape_cast %swap3A_169 : vector<1x16xf32> to vector<16xf32>
        %swap3A_171 = vector.shape_cast %mul3A_166 : vector<16xf32> to vector<1x16xf32>
        tpu.vector_store %arg9[%swap3A_167, %swap3A_168], %swap3A_171 {strides = array<i32>} : memref<128x128xf32, #tpu.memory_space<vmem>>, vector<1x16xf32>,
        %get3A_172 = arith.index_cast %scan3A_113 : i32 to index
        %get3A_173 = arith.constant 80 : index
        %get3A_174 = tpu.vector_load %arg7[%get3A_172, %get3A_173] {strides = array<i32>} : memref<128x128xf32, #tpu.memory_space<vmem>>, vector<1x16xf32>,
        %get3A_175 = vector.shape_cast %get3A_174 : vector<1x16xf32> to vector<16xf32>
        %mul3A_176 = arith.constant 11.3137083 : f32
        %mul3A_177 = vector.broadcast %mul3A_176 : f32 to vector<16xf32>
        %mul3A_178 = arith.mulf %get3A_175, %mul3A_177 : vector<16xf32>
        %swap3A_179 = arith.index_cast %scan3A_113 : i32 to index
        %swap3A_180 = arith.constant 80 : index
        %swap3A_181 = tpu.vector_load %arg9[%swap3A_179, %swap3A_180] {strides = array<i32>} : memref<128x128xf32, #tpu.memory_space<vmem>>, vector<1x16xf32>,
        %swap3A_182 = vector.shape_cast %swap3A_181 : vector<1x16xf32> to vector<16xf32>
        %swap3A_183 = vector.shape_cast %mul3A_178 : vector<16xf32> to vector<1x16xf32>
        tpu.vector_store %arg9[%swap3A_179, %swap3A_180], %swap3A_183 {strides = array<i32>} : memref<128x128xf32, #tpu.memory_space<vmem>>, vector<1x16xf32>,
        %get3A_184 = arith.index_cast %scan3A_113 : i32 to index
        %get3A_185 = arith.constant 96 : index
        %get3A_186 = tpu.vector_load %arg7[%get3A_184, %get3A_185] {strides = array<i32>} : memref<128x128xf32, #tpu.memory_space<vmem>>, vector<1x16xf32>,
        %get3A_187 = vector.shape_cast %get3A_186 : vector<1x16xf32> to vector<16xf32>
        %mul3A_188 = arith.constant 11.3137083 : f32
        %mul3A_189 = vector.broadcast %mul3A_188 : f32 to vector<16xf32>
        %mul3A_190 = arith.mulf %get3A_187, %mul3A_189 : vector<16xf32>
        %swap3A_191 = arith.index_cast %scan3A_113 : i32 to index
        %swap3A_192 = arith.constant 96 : index
        %swap3A_193 = tpu.vector_load %arg9[%swap3A_191, %swap3A_192] {strides = array<i32>} : memref<128x128xf32, #tpu.memory_space<vmem>>, vector<1x16xf32>,
        %swap3A_194 = vector.shape_cast %swap3A_193 : vector<1x16xf32> to vector<16xf32>
        %swap3A_195 = vector.shape_cast %mul3A_190 : vector<16xf32> to vector<1x16xf32>
        tpu.vector_store %arg9[%swap3A_191, %swap3A_192], %swap3A_195 {strides = array<i32>} : memref<128x128xf32, #tpu.memory_space<vmem>>, vector<1x16xf32>,
        %get3A_196 = arith.index_cast %scan3A_113 : i32 to index
        %get3A_197 = arith.constant 112 : index
        %get3A_198 = tpu.vector_load %arg7[%get3A_196, %get3A_197] {strides = array<i32>} : memref<128x128xf32, #tpu.memory_space<vmem>>, vector<1x16xf32>,
        %get3A_199 = vector.shape_cast %get3A_198 : vector<1x16xf32> to vector<16xf32>
        %mul3A_200 = arith.constant 11.3137083 : f32
        %mul3A_201 = vector.broadcast %mul3A_200 : f32 to vector<16xf32>
        %mul3A_202 = arith.mulf %get3A_199, %mul3A_201 : vector<16xf32>
        %swap3A_203 = arith.index_cast %scan3A_113 : i32 to index
        %swap3A_204 = arith.constant 112 : index
        %swap3A_205 = tpu.vector_load %arg9[%swap3A_203, %swap3A_204] {strides = array<i32>} : memref<128x128xf32, #tpu.memory_space<vmem>>, vector<1x16xf32>,
        %swap3A_206 = vector.shape_cast %swap3A_205 : vector<1x16xf32> to vector<16xf32>
        %swap3A_207 = vector.shape_cast %mul3A_202 : vector<16xf32> to vector<1x16xf32>
        tpu.vector_store %arg9[%swap3A_203, %swap3A_204], %swap3A_207 {strides = array<i32>} : memref<128x128xf32, #tpu.memory_space<vmem>>, vector<1x16xf32>,
      }
      %scan3A_98 = arith.constant 128 : i32
      %mul3A_99 = arith.constant 128 : i32
      %mul3A_100 = arith.muli %add3A_80, %mul3A_99 : i32
      %add3A_101 = arith.addi %mul3A_2, %mul3A_100 : i32
      %dma_start3A_102 = arith.constant 0 : i32
      %dma_start3A_103 = tpu.memref_slice %arg4[%add3A_101, %dma_start3A_102] : memref<204800x128xf32, #tpu.memory_space<hbm>> -> memref<128x128xf32, #tpu.memory_space<hbm>>
      %dma_start3A_104 = arith.constant 0 : i32
      %dma_start3A_105 = tpu.memref_slice %arg4[%add3A_101, %dma_start3A_104] : memref<204800x128xf32, #tpu.memory_space<hbm>> -> memref<128x128xf32, #tpu.memory_space<hbm>>
      tpu.enqueue_dma source(%arg9 : memref<128x128xf32, #tpu.memory_space<vmem>>) target(%dma_start3A_105 : memref<128x128xf32, #tpu.memory_space<hbm>>) target_semaphore(%arg13 : memref<!tpu.dma_semaphore, #tpu.memory_space<semaphore_mem>>)
      %add3A_106 = arith.constant 2 : i32
      %add3A_107 = arith.addi %add3A_80, %add3A_106 : i32
      %lt3A_108 = arith.constant 50 : i32
      %lt3A_109 = arith.cmpi slt, %add3A_107, %lt3A_108 : i32
      %convert_element_type3A_110 = arith.extui %lt3A_109 : i1 to i32
      %cond3A_111 = arith.constant 0 : i32
      %cond3A_112 = arith.cmpi ne, %convert_element_type3A_110, %cond3A_111 : i32
      scf.if %cond3A_112 {
        %add3A_113 = arith.constant 2 : i32
        %add3A_114 = arith.addi %add3A_80, %add3A_113 : i32
        %dma_start3A_115 = arith.constant 0 : i32
        %dma_start3A_116 = tpu.memref_slice %arg5[%add3A_114, %dma_start3A_115] : memref<50x128xi32, #tpu.memory_space<vmem>> -> memref<1x128xi32, #tpu.memory_space<vmem>>
        %dma_start3A_117 = tpu.memref_squeeze %dma_start3A_116 : memref<1x128xi32, #tpu.memory_space<vmem>> -> memref<128xi32, #tpu.memory_space<vmem>>
        %dma_start3A_118 = arith.constant 0 : i32
        %dma_start3A_119 = arith.constant 0 : i32
        %dma_start3A_120 = tpu.memref_slice %arg3[%dma_start3A_118, %dma_start3A_119] : memref<100000x128xf32, #tpu.memory_space<hbm>> -> memref<100000x128xf32, #tpu.memory_space<hbm>>
        tpu.enqueue_indirect_dma source(%dma_start3A_120 : memref<100000x128xf32, #tpu.memory_space<hbm>>) target(%arg7 : memref<128x128xf32, #tpu.memory_space<vmem>>) offsets(%dma_start3A_117 : memref<128xi32, #tpu.memory_space<vmem>>) semaphore(%arg11 : memref<!tpu.dma_semaphore, #tpu.memory_space<semaphore_mem>>)
      } else {
      }
    }
    %scan3A_35 = arith.constant 25 : i32
    %dma_wait3A_36 = arith.constant 0 : i32
    %dma_wait3A_37 = tpu.memref_slice %arg4[%mul3A_2, %dma_wait3A_36] : memref<204800x128xf32, #tpu.memory_space<hbm>> -> memref<128x128xf32, #tpu.memory_space<hbm>>
    %dma_wait3A_38 = arith.constant 0 : i32
    %dma_wait3A_39 = tpu.memref_slice %arg4[%mul3A_2, %dma_wait3A_38] : memref<204800x128xf32, #tpu.memory_space<hbm>> -> memref<128x128xf32, #tpu.memory_space<hbm>>
    tpu.wait_dma2 semaphore(%arg12 : memref<!tpu.dma_semaphore, #tpu.memory_space<semaphore_mem>>) src(%arg8 : memref<128x128xf32, #tpu.memory_space<vmem>>) dst(%dma_wait3A_39 : memref<128x128xf32, #tpu.memory_space<hbm>>)
    %dma_wait3A_40 = arith.constant 0 : i32
    %dma_wait3A_41 = tpu.memref_slice %arg4[%mul3A_2, %dma_wait3A_40] : memref<204800x128xf32, #tpu.memory_space<hbm>> -> memref<128x128xf32, #tpu.memory_space<hbm>>
    %dma_wait3A_42 = arith.constant 0 : i32
    %dma_wait3A_43 = tpu.memref_slice %arg4[%mul3A_2, %dma_wait3A_42] : memref<204800x128xf32, #tpu.memory_space<hbm>> -> memref<128x128xf32, #tpu.memory_space<hbm>>
    tpu.wait_dma2 semaphore(%arg13 : memref<!tpu.dma_semaphore, #tpu.memory_space<semaphore_mem>>) src(%arg9 : memref<128x128xf32, #tpu.memory_space<vmem>>) dst(%dma_wait3A_43 : memref<128x128xf32, #tpu.memory_space<hbm>>)
    return
  }
}

</mosaic_0001>

<sc_bundles>
// kernel: kernel.3.cloned.1.call-start
scs
__scs_entry_jumppad:
0x0: {  	(pc) =	sbr.rel $0x88, $3  }
0x1: {  	(tag) =	ssettag $0x0;
	lr =	simm.s32 $0x1  }
0x2: {  	[smem:$0x3F9F] =	sst lr;
	_ =	strace $0xD0000000  }
0x3: {  	_ = 	snop  }
0x4: {  	_ = 	snop  }
0x5: {  	_ = 	snop  }
0x6: {  	_ = 	snop  }
0x7: {  	_ = 	snop  }
__scs_overlays_trampoline_lowered:
0x8: {  	[smem:$0x3FAE] =	sst s0  }
0x9: {  	[smem:$0x3FAF] =	sst s1  }
0xa: {  	[smem:$0x3FB0] =	sst s2  }
0xb: {  	[smem:$0x3FB1] =	sst s3  }
0xc: {  	[smem:$0x3FB2] =	sst s4  }
0xd: {  	[smem:$0x3FB3] =	sst s5  }
0xe: {  	[smem:$0x3FB4] =	sst s6  }
0xf: {  	[smem:$0x3FB5] =	sst s7  }
0x10: {  	[smem:$0x3FB6] =	sst s8  }
0x11: {  	[smem:$0x3FB7] =	sst s9;
	s0 =	simm.s32 @!p0 $0x0  }
0x12: {  	s1 =	sld [smem:$0x3F9D];
	s0 =	simm.s32 @p0 $0x1  }
0x13: {  	[smem:$0x3FB8] =	sst s0;
	s0 =	simm.s32 @!p1 $0x0  }
0x14: {  	s2 =	sld [smem:$0x3F9C];
	s0 =	simm.s32 @p1 $0x1  }
0x15: {  	[smem:$0x3FB9] =	sst s0;
	s0 =	simm.s32 @!p2 $0x0  }
0x16: {  	s3 =	sld [smem:$0x3FDB];
	s0 =	simm.s32 @p2 $0x1  }
0x17: {  	s4 =	simm.s32 $0x1BF5;
	[smem:$0x3FBB] =	sst s0  }
0x18: {  	s0 =	sld [smem:$0x3F9E];
	_ =	swait.ge [sflag:s4], $0x0  }
0x19: {  	s7 =	sld [smem:$0x3F9F]  }
0x1a: {  	s8 =	sadd.s32 $0xFFFFE003, lr  }
0x1b: {  	s9 =	sadd.s32 $0xFFFFFEF7, lr;
	s5 =	simm.s32 $0xFFFFFFFF;
	p2 =	slt.u32 s8, $0xFFFFF086  }
0x1c: {  	p1 =	slt.u32 s9, $0xF7A;
	s5 =	simm.s32 @!p2 $0x0  }
0x1d: {  	s5 =	simm.s32 @p1 $0x1;
	p0 =	seq.s32 s7, s2  }
0x1e: {  	s7 =	smul.u32 @!p0 $0xF7A, s2;
	p2 =	seq.s32 @!p0 s5, $0x0  }
0x1f: {  	s9 =	smul.u32 $0xF7A, s1;
	s8 =	simm.s32 @!p0 $0x1BF5;
	p2 =	por !p2, p0  }
0x20: {  	[sflag:s8] =	ssyncset.s32 @!p0 $0xFFFFF086;
	s6 =	sadd.s32 @!p0 s3, s7;
	s7 =	simm.s32 @!p0 $0x108  }
0x21: {  	s3 =	sadd.s32 s3, s9;
	s6 =	sadd.s32 @!p0 $0x88, s6;
	s7 =	simm.s32 @p2 $0x1082  }
0x22: {  	[simem:s7], [sflag:s8] =	dma.local @!p0 [hbm:s6], $0xF7A  }
0x23: {  	s9 =	sor.u32 $0xD0000000, s2;
	s6 =	simm.s32 $0x108;
	_ =	swait.ge @!p0 [sflag:s8], $0x0  }
0x24: {  	s3 =	sadd.s32 $0x88, s3;
	s6 =	simm.s32 @!p1 $0x1082;
	[sflag:s4] =	ssyncset.s32 $0xFFFFF086  }
0x25: {  	[simem:s6], [sflag:s4] =	dma.local [hbm:s3], $0xF7A  }
0x26: {  	[smem:$0x3F9F] =	sst s1;
	(tag) =	ssettag s2;
	_ =	strace s9  }
0x27: {  	s1 =	sld [smem:$0x3FAF]  }
0x28: {  	s2 =	sld [smem:$0x3FB0]  }
0x29: {  	s4 =	sld [smem:$0x3FB2]  }
0x2a: {  	p0 =	seq.s32 s5, $0x0;
	s5 =	sld [smem:$0x3FB3]  }
0x2b: {  	s6 =	sld [smem:$0x3FB4]  }
0x2c: {  	s7 =	sld [smem:$0x3FB5]  }
0x2d: {  	s3 =	simm.s32 $0x108;
	s8 =	sld [smem:$0x3FB6]  }
0x2e: {  	s3 =	simm.s32 @!p0 $0x1082;
	s9 =	sld [smem:$0x3FB7]  }
0x2f: {  	lr =	sadd.s32 s0, s3;
	s0 =	sld [smem:$0x3FAE]  }
0x30: {  	s3 =	sld [smem:$0x3FB1]  }
0x31: {  	[smem:$0x3FBA] =	sst s10  }
0x32: {  	s10 =	sld [smem:$0x3FB8];
	_ =	sdelay $0x3  }
0x33: {  	p0 =	seq.s32 s10, $0x1;
	s10 =	sld [smem:$0x3FBA];
	_ =	sdelay $0x3  }
0x34: {  	[smem:$0x3FBA] =	sst s10  }
0x35: {  	s10 =	sld [smem:$0x3FB9];
	_ =	sdelay $0x3  }
0x36: {  	p1 =	seq.s32 s10, $0x1;
	s10 =	sld [smem:$0x3FBA];
	_ =	sdelay $0x3  }
0x37: {  	[smem:$0x3FBA] =	sst s10  }
0x38: {  	s10 =	sld [smem:$0x3FBB]  }
0x39: {  	_ = 	snop;
	(pc) =	sbr.ind lr, $3  }
0x3a: {  	_ = 	snop  }
0x3b: {  	_ = 	snop  }
0x3c: {  	p2 =	seq.s32 s10, $0x1;
	s10 =	sld [smem:$0x3FBA]  }
0x3d: {  	_ =	shalt  }
0x3e: {  	_ =	shalt  }
0x3f: {  	_ =	shalt  }
0x40: {  	_ =	shalt  }
0x41: {  	_ =	shalt  }
0x42: {  	_ =	shalt  }
0x43: {  	_ =	shalt  }
0x44: {  	_ =	shalt  }
0x45: {  	_ =	shalt  }
0x46: {  	_ =	shalt  }
0x47: {  	_ =	shalt  }
0x48: {  	_ =	shalt  }
0x49: {  	_ =	shalt  }
0x4a: {  	_ =	shalt  }
0x4b: {  	_ =	shalt  }
0x4c: {  	_ =	shalt  }
0x4d: {  	_ =	shalt  }
0x4e: {  	_ =	shalt  }
0x4f: {  	_ =	shalt  }
0x50: {  	_ =	shalt  }
0x51: {  	_ =	shalt  }
0x52: {  	_ =	shalt  }
0x53: {  	_ =	shalt  }
0x54: {  	_ =	shalt  }
0x55: {  	_ =	shalt  }
0x56: {  	_ =	shalt  }
0x57: {  	_ =	shalt  }
0x58: {  	_ =	shalt  }
0x59: {  	_ =	shalt  }
0x5a: {  	_ =	shalt  }
0x5b: {  	_ =	shalt  }
0x5c: {  	_ =	shalt  }
0x5d: {  	_ =	shalt  }
0x5e: {  	_ =	shalt  }
0x5f: {  	_ =	shalt  }
0x60: {  	_ =	shalt  }
0x61: {  	_ =	shalt  }
0x62: {  	_ =	shalt  }
0x63: {  	_ =	shalt  }
0x64: {  	_ =	shalt  }
0x65: {  	_ =	shalt  }
0x66: {  	_ =	shalt  }
0x67: {  	_ =	shalt  }
0x68: {  	_ =	shalt  }
0x69: {  	_ =	shalt  }
0x6a: {  	_ =	shalt  }
0x6b: {  	_ =	shalt  }
0x6c: {  	_ =	shalt  }
0x6d: {  	_ =	shalt  }
0x6e: {  	_ =	shalt  }
0x6f: {  	_ =	shalt  }
0x70: {  	_ =	shalt  }
0x71: {  	_ =	shalt  }
0x72: {  	_ =	shalt  }
0x73: {  	_ =	shalt  }
0x74: {  	_ =	shalt  }
0x75: {  	_ =	shalt  }
0x76: {  	_ =	shalt  }
0x77: {  	_ =	shalt  }
0x78: {  	_ =	shalt  }
0x79: {  	_ =	shalt  }
0x7a: {  	_ =	shalt  }
0x7b: {  	_ =	shalt  }
0x7c: {  	_ =	shalt  }
0x7d: {  	_ =	shalt  }
0x7e: {  	_ =	shalt  }
0x7f: {  	_ =	shalt  }
0x80: {  	_ =	shalt  }
0x81: {  	_ =	shalt  }
0x82: {  	_ =	shalt  }
0x83: {  	_ =	shalt  }
0x84: {  	_ =	shalt  }
0x85: {  	_ =	shalt  }
0x86: {  	_ =	shalt  }
0x87: {  	_ =	shalt  }
.Lfunc_end0:
.L_simem_size_0:
called_computation_lowered:
.L_overlay_start_0:
0x88: {  	s2 =	sld [smem:$0x3FD9]  }
0x89: {  	s3 =	sld [smem:$0x3FFE];
	_ =	sdelay $0x1  }
0x8a: {  	s1 =	srdreg.scid  }
0x8b: {  	s0 =	sand.u32 $0x1, s1  }
0x8c: {  	s17 =	sshll.u32 s0, $0xA;
	s2 =	sadd.s32 s3, s2  }
0x8d: {  	s2 =	sadd.s32 s2, s17  }
0x8e: {  	[smem:$0x3FC6] =	sst s2  }
0x8f: {  	_ = 	snop  }
0x90: {  	s2 =	sld [smem:$0x3FC8]  }
0x91: {  	s18 =	sld [smem:$0x3FD0];
	(tm) =	ssettm $0x1  }
0x92: {  	s4 =	sld [smem:$0x3FFB];
	_ =	sdelay $0x3  }
0x93: {  	_ =	strace s4  }
0x94: {  	s4 =	sld [smem:$0x3FFC];
	_ =	sdelay $0x3  }
0x95: {  	_ =	strace s4  }
0x96: {  	s4 =	sld [smem:$0x3FFD];
	_ =	sdelay $0x3  }
0x97: {  	_ =	strace s4  }
0x98: {  	_ =	strace $0x8FFFFFFF  }
0x99: {  	s19 =	sld [smem:$0x3FDB];
	_ =	sdelay $0x1  }
0x9a: {  	s5 =	simm.s32 $_scs_section_size  }
0x9b: {  	s6 =	simm.s32 $_size__tile_overlayer_lowered;
	s7 =	simm.s32 $_tile_overlayer_lowered  }
0x9c: {  	s22 =	simm.s32 $0x1BFF;
	s21 =	sshll.u32 s7, $0x1;
	s4 =	sadd.s32 s5, s19  }
0x9d: {  	s8 =	simm.s32 $0x0;
	s20 =	sshll.u32 s6, $0x1;
	s6 =	sadd.s32 s21, s4  }
0x9e: {  	[timem:s8], [sflag:s22] =	dma.local [hbm:s6], s20  }
0x9f: {  	_ =	swait.ge [sflag:s22], s20  }
0xa0: {  	s5 =	ssub.s32 $0x0, s20;
	[sflag:s22] =	ssyncset.done $0x0  }
0xa1: {  	[sflag:s22] =	ssyncadd.s32 s5;
	_ =	sdelay $0x1  }
0xa2: {  	s23 =	simm.s32 $0x1B8B  }
0xa3: {  	_ =	swait.ge [sflag:s23], $0x1  }
0xa4: {  	[sflag:s23] =	ssyncset.done $0x0  }
0xa5: {  	s25 =	simm.s32 $0x1B8E;
	s24 =	sld [smem:$0x3FFE];
	[sflag:s23] =	ssyncadd.s32 $0xFFFFFFFF  }
0xa6: {  	s26 =	simm.s32 $execute0_lowered;
	[smem:$0x3FD2] =	sst s25  }
0xa7: {  	s6 =	sshll.u32 s26, $0x1;
	_ =	strace $0x80000046;
	[dreg:$0x1] =	wrdreg $0xFFFFFFFF  }
0xa8: {  	s28 =	simm.s32 $_size_execute0_lowered;
	s4 =	sadd.s32 s4, s6;
	[dreg:$0x0] =	wrdreg $0x0  }
0xa9: {  	s6 =	sshll.u32 s28, $0x1;
	[dreg:$0x2] =	wrdreg s4  }
0xaa: {  	[dreg:$0x3] =	wrdreg s6  }
0xab: {  	[dreg:$0x4] =	wrdreg $0xC0  }
0xac: {  	_ =	task [dreg:s8], $0x5FFFF  }
0xad: {  	[dreg:$0x1] =	wrdreg $0xFFFFFFFF  }
0xae: {  	[dreg:$0x0] =	wrdreg $0x60  }
0xaf: {  	[dreg:$0x2] =	wrdreg s24  }
0xb0: {  	[dreg:$0x3] =	wrdreg s2  }
0xb1: {  	[dreg:$0x4] =	wrdreg s18  }
0xb2: {  	[dreg:$0x5] =	wrdreg $0x9  }
0xb3: {  	_ =	task.clear_ibuf [dreg:s8], $0x6FFFF;
	_ =	strace $0x90000046  }
0xb4: {  	s29 =	simm.s32 $0x9;
	_ =	strace $0x80000048  }
0xb5: {  	_ =	swait.ge [sflag:s29], $0x1  }
0xb6: {  	[sflag:s29] =	ssyncadd.s32 $0xFFFFFFFF  }
0xb7: {  	_ =	strace $0x90000048  }
0xb8: {  	_ =	sfence  }
0xb9: {  	s30 =	sld [smem:$0x0];
	_ =	sdelay $0x2  }
0xba: {  	s31 =	sshll.u32 s1, $0xD;
	s1 =	sshrl.u32 s1, $0x2  }
0xbb: {  	s3 =	sand.u32 $0x4000, s31;
	s1 =	sadd.s32 s1, s30  }
0xbc: {  	s0 =	sor.u32 s3, s0;
	s1 =	sshll.u32 s1, $0x11  }
0xbd: {  	s0 =	sor.u32 s1, s0  }
0xbe: {  	s0 =	sadd.s32 $0x8F2B, s0  }
0xbf: {  	[sflag:s0] =	ssyncadd.remote.s32 $0x1  }
0xc0: {  	_ =	sfence.sel $0xFFFF  }
0xc1: {  	[dreg:$0x0] =	wrdreg $0xFFFFFFFF;
	(pc) =	sbr.abs _section_cstart, $3  }
0xc2: {  	[dreg:$0x1] =	wrdreg $0xFFFFFFFF  }
0xc3: {  	_ =	task.clear_ibuf [dreg:s8], $0x2FFFF;
	_ =	strace $0x9FFFFFFF  }
0xc4: {  	(tm) =	ssettm $0x7FFFFFFF  }
0xc5: {  	_ =	shalt  }
tec
execute0_lowered:
.L_overlay_start_1:
0x0: {  	(tag) =	ssettag $0x1  }
0x1: {  	s5 =	rddreg [dreg:$0x0]  }
0x2: {  	s1 =	srdreg.scid;
	s2 =	rddreg [dreg:$0x1]  }
0x3: {  	s0 =	stileid.u32;
	s3 =	rddreg [dreg:$0x2]  }
0x4: {  	s4 =	simm.s32 $0x0;
	s10 =	simm.s32 $0x80;
	s11 =	simm.s32 $0x1C00  }
0x5: {  	s12 =	simm.s32 $0x5C00;
	s13 =	simm.s32 $0x1;
	s14 =	simm.s32 $0x9C00  }
0x6: {  	s15 =	simm.s32 $0x2;
	s6 =	sand.u32 $0x1, s1;
	s29 =	sshll.u32 s0, $0x1  }
0x7: {  	s16 =	simm.s32 $0x4;
	s17 =	simm.s32 $0xDC00;
	s7 =	sor.u32 s6, s29  }
0x8: {  	s18 =	simm.s32 $0x3;
	s19 =	simm.s32 $0x0;
	s8 =	smul.u32 $0x380, s7  }
.Ltmp0:
0x9: {  	s1 =	rddreg [dreg:$0x3];
	s6 =	ssub.s32 $0x2, s6;
	(pc) =	sbr.rel .LBB2_1-.Ltmp0, $4  }
0xa: {  	[smem:$0x7FF] =	sst s4;
	s30 =	sshrl.u32 s6, $0x1;
	s9 =	smul.u32 $0x19000, s7  }
0xb: {  	_ =	strace $0x80000047;
	s5 =	sadd.s32 s8, s5;
	s8 =	ssub.s32 s6, s30  }
0xc: {  	s6 =	smul.u32 $0xC8000, s7;
	s31 =	sadd.s32 s9, s3;
	s9 =	simm.s32 $0x5  }
0xd: {  	s5 =	sadd.s32 $0x400, s5;
	s7 =	smax.u32 s8, $0x1;
	s8 =	sadd.s32 $0x800, s31  }
.LBB2_12:
0xe: {  	s19 =	sadd.s32 $0x1, s19  }
0xf: {  	_ =	swait.ge [sflag:s18], $0x4000;
	p0 =	sne.s32 s19, s7  }
.Ltmp1:
0x10: {  	[sflag:s18] =	ssyncset.done $0x0;
	(pc) =	sbr.rel @!p0 .LBB2_13-.Ltmp1, $4  }
0x11: {  	[sflag:s18] =	ssyncadd.s32 $0xFFFFC000  }
0x12: {  	_ =	swait.ge [sflag:s16], $0x4000  }
0x13: {  	[sflag:s16] =	ssyncset.done $0x0  }
0x14: {  	[sflag:s16] =	ssyncadd.s32 $0xFFFFC000  }
.LBB2_1:
0x15: {  	[tilespmem:s4], [sflag:$0x5] =	stream.linear.gather [hbm4b:s5+s4], $0x1900, $0x38;
	[tilespmem:$0x11C00] =	vst v63  }
0x16: {  	_ =	swait.ge [sflag:s9], $0x1900  }
0x17: {  	[sflag:s9] =	ssyncset.done $0x0  }
0x18: {  	[sflag:s9] =	ssyncadd.s32 $0xFFFFE700  }
0x19: {  	[tilespmem:s11], [sflag:$0x1] =	stream.indirect.gather [hbm4b:s2+s10], $0x80, s4, s10, $0xb8;
	[tilespmem:$0x11C00] =	vst v63  }
0x1a: {  	s20 =	simm.s32 $0x0  }
0x1b: {  	[tilespmem:s12], [sflag:$0x2] =	stream.indirect.gather [hbm4b:s2+s10], $0x80, s10, s10, $0xb8;
	[tilespmem:$0x11C00] =	vst v63  }
.LBB2_2:
0x1c: {  	_ =	swait.ge [sflag:s13], $0x4000  }
0x1d: {  	p0 =	seq.s32 s20, $0x0;
	[sflag:s13] =	ssyncset.done $0x0  }
0x1e: {  	s21 =	simm.s32 @!p0 $0x3;
	[sflag:s13] =	ssyncadd.s32 $0xFFFFC000  }
0x1f: {  	_ =	swait.ge @!p0 [sflag:s21], $0x4000  }
0x20: {  	[sflag:s21] =	ssyncset.done @!p0 $0x0  }
0x21: {  	s23 =	simm.s32 $0x0;
	[sflag:s21] =	ssyncadd.s32 @!p0 $0xFFFFC000  }
0x22: {  	v1 =	vld [tilespmem:s23+$0x1C70]  }
0x23: {  	v5 =	vld [tilespmem:s23+$0x1C00]  }
0x24: {  	v6 =	vld [tilespmem:s23+$0x1C10]  }
0x25: {  	v4 =	vld [tilespmem:s23+$0x1C20]  }
0x26: {  	v3 =	vld [tilespmem:s23+$0x1C30]  }
0x27: {  	v0 =	vld [tilespmem:s23+$0x1C40];
	v7 =	vmul.f32 $1.131370830e+01, v1  }
0x28: {  	v1 =	vld [tilespmem:s23+$0x1C50];
	v5 =	vmul.f32 $1.131370830e+01, v5  }
0x29: {  	s22 =	simm.s32 $0x80;
	s24 =	simm.s32 $0x400;
	s21 =	sshll.u32 s20, $0xA;
	v2 =	vld [tilespmem:s23+$0x1C60];
	v6 =	vmul.f32 $1.131370830e+01, v6;
	[tilespmem:s23+$0x9C70] =	vst v7  }
.LBB2_3:
0x2a: {  	p1 =	sne.s32 s24, $0xFE00;
	v7 =	vld [tilespmem:s22+$0x1C70];
	[tilespmem:s23+$0x9C00] =	vst v5;
	v4 =	vmul.f32 $1.131370830e+01, v4  }
0x2b: {  	v5 =	vld [tilespmem:s22+$0x1C00];
	[tilespmem:s23+$0x9C10] =	vst v6;
	v3 =	vmul.f32 $1.131370830e+01, v3  }
0x2c: {  	v6 =	vld [tilespmem:s22+$0x1C10];
	[tilespmem:s23+$0x9C20] =	vst v4;
	v0 =	vmul.f32 $1.131370830e+01, v0  }
.Ltmp2:
0x2d: {  	v4 =	vld [tilespmem:s22+$0x1C20];
	[tilespmem:s23+$0x9C30] =	vst v3;
	v1 =	vmul.f32 $1.131370830e+01, v1;
	(pc) =	sbr.rel @p1 .LBB2_3-.Ltmp2, $4  }
0x2e: {  	v3 =	vld [tilespmem:s22+$0x1C30];
	[tilespmem:s23+$0x9C40] =	vst v0;
	v2 =	vmul.f32 $1.131370830e+01, v2  }
0x2f: {  	v0 =	vld [tilespmem:s22+$0x1C40];
	v7 =	vmul.f32 $1.131370830e+01, v7;
	[tilespmem:s23+$0x9C50] =	vst v1  }
0x30: {  	v5 =	vmul.f32 $1.131370830e+01, v5;
	v1 =	vld [tilespmem:s22+$0x1C50];
	[tilespmem:s23+$0x9C60] =	vst v2;
	s23 =	smov.u32 s22  }
0x31: {  	s22 =	sshra.s32 s24, $0x2;
	s24 =	sadd.s32 $0x200, s24;
	v6 =	vmul.f32 $1.131370830e+01, v6;
	v2 =	vld [tilespmem:s23+$0x1C60];
	[tilespmem:s23+$0x9C70] =	vst v7  }
0x32: {  	v7 =	vld [tilespmem:s22+$0x1C70];
	[tilespmem:s23+$0x9C00] =	vst v5;
	v4 =	vmul.f32 $1.131370830e+01, v4  }
0x33: {  	v5 =	vld [tilespmem:s22+$0x1C00];
	[tilespmem:s23+$0x9C10] =	vst v6;
	v3 =	vmul.f32 $1.131370830e+01, v3  }
0x34: {  	v6 =	vld [tilespmem:s22+$0x1C10];
	[tilespmem:s23+$0x9C20] =	vst v4;
	v0 =	vmul.f32 $1.131370830e+01, v0  }
0x35: {  	v4 =	vld [tilespmem:s22+$0x1C20];
	[tilespmem:s23+$0x9C30] =	vst v3;
	v1 =	vmul.f32 $1.131370830e+01, v1  }
0x36: {  	v3 =	vld [tilespmem:s22+$0x1C30];
	[tilespmem:s23+$0x9C40] =	vst v0;
	v2 =	vmul.f32 $1.131370830e+01, v2  }
0x37: {  	v0 =	vld [tilespmem:s22+$0x1C40];
	[tilespmem:s23+$0x9C50] =	vst v1;
	v7 =	vmul.f32 $1.131370830e+01, v7  }
0x38: {  	v1 =	vld [tilespmem:s22+$0x1C50];
	[tilespmem:s23+$0x9C60] =	vst v2;
	v60 =	vmul.f32 $1.131370830e+01, v5  }
0x39: {  	v61 =	vld [tilespmem:s22+$0x1C60];
	v6 =	vmul.f32 $1.131370830e+01, v6;
	[tilespmem:s22+$0x9C70] =	vst v7  }
0x3a: {  	[tilespmem:s22+$0x9C00] =	vst v60;
	v62 =	vmul.f32 $1.131370830e+01, v4  }
0x3b: {  	[tilespmem:s22+$0x9C10] =	vst v6;
	v3 =	vmul.f32 $1.131370830e+01, v3  }
0x3c: {  	p1 =	sne.s32 s20, $0x18;
	[tilespmem:s22+$0x9C20] =	vst v62;
	v0 =	vmul.f32 $1.131370830e+01, v0  }
.Ltmp3:
0x3d: {  	s30 =	sshll.u32 s20, $0xF;
	[tilespmem:s22+$0x9C30] =	vst v3;
	v1 =	vmul.f32 $1.131370830e+01, v1;
	(pc) =	sbr.rel @p1 .LBB2_6-.Ltmp3, $4  }
0x3e: {  	s23 =	sadd.s32 s6, s30;
	[tilespmem:s22+$0x9C40] =	vst v0;
	v63 =	vmul.f32 $1.131370830e+01, v61  }
0x3f: {  	s23 =	sshrl.u32 s23, $0x3;
	[tilespmem:s22+$0x9C50] =	vst v1  }
0x40: {  	s31 =	sadd.s32 s3, s23;
	[tilespmem:s22+$0x9C60] =	vst v63  }
0x41: {  	[hbm4b:s31+s4] =	stream.linear.scatter [tilespmem:s14], [sflag:$0x3], $0x4000, $0x38;
	[tilespmem:$0x11C00] =	vst v63  }
.Ltmp4:
0x42: {  	(pc) =	sbr.rel .LBB2_7-.Ltmp4, $4  }
0x43: {  	_ = 	snop  }
0x44: {  	_ =	swait.ge [sflag:s15], $0x4000  }
0x45: {  	[sflag:s15] =	ssyncset.done $0x0  }
0x46: {  	[sflag:s15] =	ssyncadd.s32 $0xFFFFC000  }
.LBB2_6:
0x47: {  	s22 =	sshrl.u32 s21, $0x2  }
.Ltmp5:
0x48: {  	s22 =	sadd.s32 $0x100, s22;
	(pc) =	sbr.rel @p0 .LBB2_8-.Ltmp5, $4  }
0x49: {  	[tilespmem:s11], [sflag:$0x1] =	stream.indirect.gather [hbm4b:s2+s10], $0x80, s22, s10, $0xb8;
	[tilespmem:$0x11C00] =	vst v63  }
0x4a: {  	_ =	swait.ge [sflag:s15], $0x4000  }
0x4b: {  	[sflag:s15] =	ssyncset.done $0x0  }
0x4c: {  	[sflag:s15] =	ssyncadd.s32 $0xFFFFC000  }
.LBB2_7:
0x4d: {  	_ =	swait.ge [sflag:s16], $0x4000  }
0x4e: {  	[sflag:s16] =	ssyncset.done $0x0  }
0x4f: {  	[sflag:s16] =	ssyncadd.s32 $0xFFFFC000  }
.LBB2_8:
0x50: {  	s23 =	simm.s32 $0x0  }
0x51: {  	v1 =	vld [tilespmem:s23+$0x5C70]  }
0x52: {  	v5 =	vld [tilespmem:s23+$0x5C00]  }
0x53: {  	v6 =	vld [tilespmem:s23+$0x5C10]  }
0x54: {  	v4 =	vld [tilespmem:s23+$0x5C20]  }
0x55: {  	v3 =	vld [tilespmem:s23+$0x5C30]  }
0x56: {  	v0 =	vld [tilespmem:s23+$0x5C40];
	v7 =	vmul.f32 $1.131370830e+01, v1  }
0x57: {  	v1 =	vld [tilespmem:s23+$0x5C50];
	v5 =	vmul.f32 $1.131370830e+01, v5  }
0x58: {  	s22 =	simm.s32 $0x80;
	s24 =	simm.s32 $0x400;
	v2 =	vld [tilespmem:s23+$0x5C60];
	v6 =	vmul.f32 $1.131370830e+01, v6;
	[tilespmem:s23+$0xDC70] =	vst v7  }
.LBB2_9:
0x59: {  	p0 =	sne.s32 s24, $0xFE00;
	v7 =	vld [tilespmem:s22+$0x5C70];
	[tilespmem:s23+$0xDC00] =	vst v5;
	v4 =	vmul.f32 $1.131370830e+01, v4  }
0x5a: {  	v5 =	vld [tilespmem:s22+$0x5C00];
	[tilespmem:s23+$0xDC10] =	vst v6;
	v3 =	vmul.f32 $1.131370830e+01, v3  }
0x5b: {  	v6 =	vld [tilespmem:s22+$0x5C10];
	[tilespmem:s23+$0xDC20] =	vst v4;
	v0 =	vmul.f32 $1.131370830e+01, v0  }
.Ltmp6:
0x5c: {  	v4 =	vld [tilespmem:s22+$0x5C20];
	[tilespmem:s23+$0xDC30] =	vst v3;
	v1 =	vmul.f32 $1.131370830e+01, v1;
	(pc) =	sbr.rel @p0 .LBB2_9-.Ltmp6, $4  }
0x5d: {  	v3 =	vld [tilespmem:s22+$0x5C30];
	[tilespmem:s23+$0xDC40] =	vst v0;
	v2 =	vmul.f32 $1.131370830e+01, v2  }
0x5e: {  	v0 =	vld [tilespmem:s22+$0x5C40];
	v7 =	vmul.f32 $1.131370830e+01, v7;
	[tilespmem:s23+$0xDC50] =	vst v1  }
0x5f: {  	v5 =	vmul.f32 $1.131370830e+01, v5;
	v1 =	vld [tilespmem:s22+$0x5C50];
	[tilespmem:s23+$0xDC60] =	vst v2;
	s23 =	smov.u32 s22  }
0x60: {  	s22 =	sshra.s32 s24, $0x2;
	s24 =	sadd.s32 $0x200, s24;
	v6 =	vmul.f32 $1.131370830e+01, v6;
	v2 =	vld [tilespmem:s23+$0x5C60];
	[tilespmem:s23+$0xDC70] =	vst v7  }
0x61: {  	v7 =	vld [tilespmem:s22+$0x5C70];
	[tilespmem:s23+$0xDC00] =	vst v5;
	v4 =	vmul.f32 $1.131370830e+01, v4  }
0x62: {  	v5 =	vld [tilespmem:s22+$0x5C00];
	[tilespmem:s23+$0xDC10] =	vst v6;
	v3 =	vmul.f32 $1.131370830e+01, v3  }
0x63: {  	v6 =	vld [tilespmem:s22+$0x5C10];
	[tilespmem:s23+$0xDC20] =	vst v4;
	v0 =	vmul.f32 $1.131370830e+01, v0  }
0x64: {  	v4 =	vld [tilespmem:s22+$0x5C20];
	[tilespmem:s23+$0xDC30] =	vst v3;
	v1 =	vmul.f32 $1.131370830e+01, v1  }
0x65: {  	v3 =	vld [tilespmem:s22+$0x5C30];
	[tilespmem:s23+$0xDC40] =	vst v0;
	v2 =	vmul.f32 $1.131370830e+01, v2  }
0x66: {  	v0 =	vld [tilespmem:s22+$0x5C40];
	[tilespmem:s23+$0xDC50] =	vst v1;
	v7 =	vmul.f32 $1.131370830e+01, v7  }
0x67: {  	v1 =	vld [tilespmem:s22+$0x5C50];
	[tilespmem:s23+$0xDC60] =	vst v2;
	v60 =	vmul.f32 $1.131370830e+01, v5  }
0x68: {  	v61 =	vld [tilespmem:s22+$0x5C60];
	v6 =	vmul.f32 $1.131370830e+01, v6;
	[tilespmem:s22+$0xDC70] =	vst v7  }
0x69: {  	[tilespmem:s22+$0xDC00] =	vst v60;
	v62 =	vmul.f32 $1.131370830e+01, v4  }
0x6a: {  	[tilespmem:s22+$0xDC10] =	vst v6;
	v3 =	vmul.f32 $1.131370830e+01, v3  }
0x6b: {  	p0 =	seq.s32 s20, $0x18;
	[tilespmem:s22+$0xDC20] =	vst v62;
	v0 =	vmul.f32 $1.131370830e+01, v0  }
.Ltmp7:
0x6c: {  	[tilespmem:s22+$0xDC30] =	vst v3;
	v1 =	vmul.f32 $1.131370830e+01, v1;
	(pc) =	sbr.rel @p0 .LBB2_12-.Ltmp7, $4  }
0x6d: {  	[tilespmem:s22+$0xDC40] =	vst v0;
	v63 =	vmul.f32 $1.131370830e+01, v61  }
0x6e: {  	s30 =	sshll.u32 s20, $0xC;
	[tilespmem:s22+$0xDC50] =	vst v1  }
0x6f: {  	s31 =	sadd.s32 s8, s30;
	[tilespmem:s22+$0xDC60] =	vst v63  }
0x70: {  	[hbm4b:s31+s4] =	stream.linear.scatter [tilespmem:s17], [sflag:$0x4], $0x4000, $0x38;
	[tilespmem:$0x11C00] =	vst v63  }
.Ltmp8:
0x71: {  	(pc) =	sbr.rel .LBB2_2-.Ltmp8, $4  }
0x72: {  	_ = 	snop  }
0x73: {  	s21 =	sshrl.u32 s21, $0x2  }
0x74: {  	s20 =	sadd.s32 $0x1, s20;
	s21 =	sadd.s32 $0x180, s21  }
0x75: {  	[tilespmem:s12], [sflag:$0x2] =	stream.indirect.gather [hbm4b:s2+s10], $0x80, s21, s10, $0xb8;
	[tilespmem:$0x11C00] =	vst v63  }
.LBB2_13:
0x76: {  	_ =	sfence.sel $0x180000  }
0x77: {  	[bflag:$0x0] =	sbarrier.arrive $0xFFFF  }
0x78: {  	p0 =	sne.s32 s0, $0x0;
	_ =	strace $0x90000047  }
0x79: {  	s0 =	sadd.s32 @!p0 $0x100000, s1;
	[bflag:$0x2] =	sbarrier.arrive $0xFFFF  }
0x7a: {  	[sflag:s0] =	ssyncadd.tile.s32 @!p0 $0x1;
	_ =	shalt  }
.Lfunc_end2:
_tile_overlayer_lowered:
.L_overlay_start_2:
0x7b: {  	(tag) =	ssettag $0x2  }
0x7c: {  	s0 =	rddreg [dreg:$0x0];
	s2 =	stileid.u32  }
0x7d: {  	s1 =	rddreg [dreg:$0x1];
	p0 =	sne.s32 s2, $0x0  }
0x7e: {  	s3 =	rddreg [dreg:$0x2];
	[bflag:$0x3] =	sbarrier.arrive $0xFFFF;
	s2 =	simm.s32 @!p0 $0x1C06  }
0x7f: {  	[timem:s3], [sflag:s2] =	dma.local @!p0 [hbm:s0], s1  }
0x80: {  	s0 =	simm.s32 @!p0 $0x6  }
0x81: {  	_ =	swait.ge @!p0 [sflag:s0], s1  }
0x82: {  	s1 =	ssub.s32 @!p0 $0x0, s1;
	[sflag:s0] =	ssyncset.done @!p0 $0x0  }
0x83: {  	[sflag:s0] =	ssyncadd.s32 @!p0 s1  }
0x84: {  	[bflag:$0x3] =	sbarrier.arrive $0xFFFF  }
0x85: {  	_ =	shalt  }

</sc_bundles>
